<compile_context>
chip_gen: v7x
topology: tpu7x:2x2x1
jax: 0.10.2.dev20260603
libtpu: 0.0.44.dev20260713+nightly
codegen_flags: <defaults>
</compile_context>

<pallas_src>
import functools

import jax
import jax.numpy as jnp
from jax import lax
from jax.experimental import pallas as pl
from jax.experimental.pallas import tpu as pltpu
from jax.experimental.pallas import tpu_sc as plsc

_N = 5000
_NP = 5120
_NB = _NP // 128
_NMS_T = 0.5
_SCORE_T = 0.05
_K = 100
_KP = 104


def _dot(a, b):
    return jax.lax.dot_general(
        a, b, (((1,), (0,)), ((), ())), preferred_element_type=jnp.float32
    )


def _iou_mask(ax1, ay1, ax2, ay2, aar, bx1, by1, bx2, by2, bar):
    w = jnp.maximum(jnp.minimum(ax2, bx2) - jnp.maximum(ax1, bx1), 0.0)
    h = jnp.maximum(jnp.minimum(ay2, by2) - jnp.maximum(ay1, by1), 0.0)
    inter = w * h
    iou = inter / (aar + bar - inter + 1e-9)
    return (iou > _NMS_T).astype(jnp.float32)


def _nms_body(x1_ref, y1_ref, x2_ref, y2_ref, ar_ref, s_ref, dcol_ref,
              sst_ref, out_ref, kall_ref, rank_ref):
    kall_ref[...] = jnp.zeros((_NB, 128), jnp.float32)

    it = jax.lax.broadcasted_iota(jnp.int32, (128, 128), 0)
    jt = jax.lax.broadcasted_iota(jnp.int32, (128, 128), 1)
    tri = (it < jt).astype(jnp.float32)

    def block_cols(e):
        return jnp.transpose(dcol_ref[:, pl.ds(e * 128, 128)])

    def block_iou(a, bx1, by1, bx2, by2, bar):
        return _iou_mask(a[:, 0:1], a[:, 1:2], a[:, 2:3], a[:, 3:4],
                         a[:, 5:6], bx1, by1, bx2, by2, bar)

    def blk_body(carry):
        i, cnt, _ = carry
        bx1 = x1_ref[pl.ds(i, 1), :]
        by1 = y1_ref[pl.ds(i, 1), :]
        bx2 = x2_ref[pl.ds(i, 1), :]
        by2 = y2_ref[pl.ds(i, 1), :]
        bar = ar_ref[pl.ds(i, 1), :]

        def ext_body(e, counts):
            m = block_iou(block_cols(e), bx1, by1, bx2, by2, bar)
            ke = kall_ref[pl.ds(e, 1), :]
            return counts + _dot(ke, m)

        counts = jax.lax.fori_loop(
            0, i, ext_body, jnp.zeros((1, 128), jnp.float32)
        )
        free = (counts == 0.0).astype(jnp.float32)

        mu = block_iou(block_cols(i), bx1, by1, bx2, by2, bar) * tri

        def fp_cond(c):
            return c[1]

        def fp_body(c):
            k, _ = c
            kn = free * (_dot(k, mu) == 0.0).astype(jnp.float32)
            return kn, jnp.any(kn != k)

        k, _ = jax.lax.while_loop(fp_cond, fp_body, (free, True))
        kall_ref[pl.ds(i, 1), :] = k

        sblk = s_ref[pl.ds(i, 1), :]
        cnt = cnt + jnp.sum(k * (sblk > _SCORE_T).astype(jnp.float32))
        nxt = i + 1
        cont = ((nxt < _NB) & (cnt < float(_K))
                & (sst_ref[jnp.minimum(nxt, _NB - 1)] > _SCORE_T))
        return nxt, cnt, cont

    i_end, _, _ = jax.lax.while_loop(
        lambda c: c[2], blk_body, (0, 0.0, sst_ref[0] > _SCORE_T)
    )

    elig = kall_ref[...] * (s_ref[...] > _SCORE_T).astype(jnp.float32)

    incl = (it <= jt).astype(jnp.float32)
    rowcum = _dot(elig, incl)
    rowsum = rowcum[:, 127:128]
    bi = jax.lax.broadcasted_iota(jnp.int32, (_NB, _NB), 0)
    bj = jax.lax.broadcasted_iota(jnp.int32, (_NB, _NB), 1)
    lstrict = (bj < bi).astype(jnp.float32)
    offs = _dot(lstrict, rowsum)
    rank_ref[...] = rowcum + offs - elig
    kall_ref[...] = elig

    riota = jax.lax.broadcasted_iota(jnp.int32, (_KP, 1), 0).astype(
        jnp.float32
    )

    def out_body(i, acc):
        r = rank_ref[pl.ds(i, 1), :]
        e = kall_ref[pl.ds(i, 1), :]
        onehot = (riota == r).astype(jnp.float32) * e
        return acc + _dot(onehot, block_cols(i))

    out_ref[...] = jax.lax.fori_loop(
        0, i_end, out_body, jnp.zeros((_KP, 8), jnp.float32)
    )


_NW = 32
_PER_W = _NP // _NW
_CHUNK = 80


def _sc_gather_sorted(packed, order):
    mesh = plsc.VectorSubcoreMesh(core_axis_name="c", subcore_axis_name="s")

    @functools.partial(
        pl.kernel,
        mesh=mesh,
        compiler_params=pltpu.CompilerParams(use_tc_tiling_on_sc=False),
        out_type=jax.ShapeDtypeStruct((_NP, 16), jnp.float32),
        scratch_types=[
            pltpu.VMEM((_CHUNK,), jnp.int32),
            pltpu.VMEM((_CHUNK, 16), jnp.float32),
            pltpu.SemaphoreType.DMA,
        ],
    )
    def k(table_hbm, idx_hbm, out_hbm, idx_v, rows_v, sem):
        wid = lax.axis_index("s") * 2 + lax.axis_index("c")
        for c in range(_PER_W // _CHUNK):
            base = wid * _PER_W + c * _CHUNK
            pltpu.sync_copy(idx_hbm.at[pl.ds(base, _CHUNK)], idx_v)
            pltpu.async_copy(table_hbm.at[idx_v], rows_v, sem).wait()
            pltpu.sync_copy(rows_v, out_hbm.at[pl.ds(base, _CHUNK)])

    return k(packed, order)


@jax.jit
def kernel(boxes, scores):
    pad = _NP - _N
    zpad = jnp.zeros((pad,), jnp.float32)
    s0 = jnp.concatenate([scores, jnp.full((pad,), -1.0, jnp.float32)])
    x1 = jnp.concatenate([boxes[:, 0], zpad])
    y1 = jnp.concatenate([boxes[:, 1], zpad])
    x2 = jnp.concatenate([boxes[:, 2], zpad])
    y2 = jnp.concatenate([boxes[:, 3], zpad])
    area0 = (x2 - x1) * (y2 - y1)
    z = jnp.zeros((_NP,), jnp.float32)
    packed = jnp.stack(
        [x1, y1, x2, y2, s0, area0, z, z, z, z, z, z, z, z, z, z], axis=1)

    order = jnp.argsort(-s0).astype(jnp.int32)
    srt = _sc_gather_sorted(packed, order)
    t = jnp.transpose(srt[:, :8])
    x1, y1, x2, y2, s, area = t[0], t[1], t[2], t[3], t[4], t[5]

    lane = lambda v: v.reshape(_NB, 128)
    dcol = t[:8]
    sst = s[:: 128]

    out = pl.pallas_call(
        _nms_body,
        out_shape=jax.ShapeDtypeStruct((_KP, 8), jnp.float32),
        in_specs=[pl.BlockSpec(memory_space=pltpu.VMEM)] * 7
        + [pl.BlockSpec(memory_space=pltpu.SMEM)],
        out_specs=pl.BlockSpec(memory_space=pltpu.VMEM),
        scratch_shapes=[pltpu.VMEM((_NB, 128), jnp.float32),
                        pltpu.VMEM((_NB, 128), jnp.float32)],
    )(lane(x1), lane(y1), lane(x2), lane(y2), lane(area), lane(s), dcol, sst)

    return out[:_K, :5]

# --- scband reference (transcript-rebuilt; emitter-appended) ---
"""Pipeline reference for scband-parallel-standard-roiheads-20005957665006 (READ-ONLY COPY).

The authoritative reference and input builder live on the scoring server;
editing this copy changes nothing except your own understanding.
"""

import jax, jax.numpy as jnp
import numpy as np

N = 5000
NMS_THRESH = 0.5
SCORE_THRESH = 0.05
DETS_PER_IMG = 100


def setup_inputs(seed: int = 0) -> dict:
    key = jax.random.key(seed)
    k1, k2, k3 = jax.random.split(key, 3)
    # valid xyxy boxes inside a ~1000x1000 image
    cxcy = jax.random.uniform(k1, (N, 2), minval=0.0, maxval=1000.0, dtype=jnp.float32)
    wh = jax.random.uniform(k2, (N, 2), minval=4.0, maxval=200.0, dtype=jnp.float32)
    boxes = jnp.concatenate([cxcy - wh / 2.0, cxcy + wh / 2.0], axis=1)
    scores = jax.random.uniform(k3, (N,), dtype=jnp.float32)
    return {"boxes": boxes, "scores": scores}


def _pairwise_iou(a, b):
    area_a = (a[:, 2] - a[:, 0]) * (a[:, 3] - a[:, 1])
    area_b = (b[:, 2] - b[:, 0]) * (b[:, 3] - b[:, 1])
    lt = jnp.maximum(a[:, None, :2], b[None, :, :2])
    rb = jnp.minimum(a[:, None, 2:], b[None, :, 2:])
    wh = jnp.clip(rb - lt, 0.0)
    inter = wh[..., 0] * wh[..., 1]
    return inter / (area_a[:, None] + area_b[None, :] - inter + 1e-9)


@jax.jit
def _fast_rcnn_inference_single(boxes, scores):
    # sort proposals by descending score (greedy NMS order)
    order = jnp.argsort(-scores)
    b = boxes[order]
    s = scores[order]
    iou = _pairwise_iou(b, b)
    n = b.shape[0]
    idx = jnp.arange(n)

    def body(i, keep):
        earlier = idx < i
        suppressed = jnp.any((iou[:, i] > NMS_THRESH) & keep & earlier)
        return keep.at[i].set(jnp.logical_not(suppressed))

    keep = jax.lax.fori_loop(0, n, body, jnp.zeros((n,), dtype=bool))
    # score threshold (fast_rcnn_inference filter_mask)
    keep = keep & (s > SCORE_THRESH)
    masked = jnp.where(keep, s, -jnp.inf)
    # top detections_per_image survivors
    topv, topi = jax.lax.top_k(masked, DETS_PER_IMG)
    valid = topv > -jnp.inf
    sel_boxes = jnp.where(valid[:, None], b[topi], 0.0)
    sel_scores = jnp.where(valid, s[topi], 0.0)
    # pack as [K, 5]: x1,y1,x2,y2,score
    return jnp.concatenate([sel_boxes, sel_scores[:, None]], axis=1)


def reference(boxes, scores):
    return _fast_rcnn_inference_single(boxes, scores)

if __name__ == "__main__":
    import jax
    _d = setup_inputs()
    print(jax.jit(kernel)(*tuple(_d.values())))

</pallas_src>

<mosaic_0001>
#map = affine_map<(d0, d1) -> (0, 0)>
#map1 = affine_map<(d0, d1) -> (0)>
module attributes {stable_mosaic.version = 14 : i64} {
  func.func @k(%arg0: i32, %arg1: i32, %arg2: memref<5120x16xf32, #tpu.memory_space<hbm>>, %arg3: memref<5120xi32, #tpu.memory_space<hbm>>, %arg4: memref<5120x16xf32, #tpu.memory_space<hbm>>, %arg5: memref<80xi32, #tpu.memory_space<vmem>>, %arg6: memref<80x16xf32, #tpu.memory_space<vmem>>, %arg7: memref<!tpu.dma_semaphore, #tpu.memory_space<semaphore_mem>>) attributes {dimension_semantics = [#tpu.dimension_semantics<core_parallel>, #tpu.dimension_semantics<subcore_parallel>], iteration_bounds = array<i64: 2, 16>, scalar_prefetch = 0 : i64, scratch_operands = 3 : i64, tpu.core_type = #tpu.core_type<sc_vector_subcore>, window_params = [{transform_indices = #map}, {transform_indices = #map1}, {transform_indices = #map}]} {
    %mul3A = arith.constant 2 : i32
    %mul3A_0 = arith.muli %arg1, %mul3A : i32
    %add3A = arith.addi %mul3A_0, %arg0 : i32
    %mul3A_1 = arith.constant 160 : i32
    %mul3A_2 = arith.muli %add3A, %mul3A_1 : i32
    %add3A_3 = arith.constant 0 : i32
    %add3A_4 = arith.addi %mul3A_2, %add3A_3 : i32
    "tpu.region"() ({
      %run_scoped3A = tpu.sem_alloc : memref<!tpu.dma_semaphore, #tpu.memory_space<semaphore_mem>>
      %dma_start3A_19 = tpu.memref_slice %arg3[%add3A_4] : memref<5120xi32, #tpu.memory_space<hbm>> -> memref<80xi32, #tpu.memory_space<hbm>>
      %dma_start3A_20 = tpu.memref_slice %arg3[%add3A_4] : memref<5120xi32, #tpu.memory_space<hbm>> -> memref<80xi32, #tpu.memory_space<hbm>>
      tpu.enqueue_dma source(%dma_start3A_20 : memref<80xi32, #tpu.memory_space<hbm>>) target(%arg5 : memref<80xi32, #tpu.memory_space<vmem>>) target_semaphore(%run_scoped3A : memref<!tpu.dma_semaphore, #tpu.memory_space<semaphore_mem>>)
      %dma_wait3A_21 = tpu.memref_slice %arg3[%add3A_4] : memref<5120xi32, #tpu.memory_space<hbm>> -> memref<80xi32, #tpu.memory_space<hbm>>
      %dma_wait3A_22 = tpu.memref_slice %arg3[%add3A_4] : memref<5120xi32, #tpu.memory_space<hbm>> -> memref<80xi32, #tpu.memory_space<hbm>>
      tpu.wait_dma2 semaphore(%run_scoped3A : memref<!tpu.dma_semaphore, #tpu.memory_space<semaphore_mem>>) src(%dma_wait3A_22 : memref<80xi32, #tpu.memory_space<hbm>>) dst(%arg5 : memref<80xi32, #tpu.memory_space<vmem>>)
      tpu.yield
    }) : () -> ()
    %dma_start3A = arith.constant 0 : i32
    %dma_start3A_5 = arith.constant 0 : i32
    %dma_start3A_6 = tpu.memref_slice %arg2[%dma_start3A, %dma_start3A_5] : memref<5120x16xf32, #tpu.memory_space<hbm>> -> memref<5120x16xf32, #tpu.memory_space<hbm>>
    tpu.enqueue_indirect_dma source(%dma_start3A_6 : memref<5120x16xf32, #tpu.memory_space<hbm>>) target(%arg6 : memref<80x16xf32, #tpu.memory_space<vmem>>) offsets(%arg5 : memref<80xi32, #tpu.memory_space<vmem>>) semaphore(%arg7 : memref<!tpu.dma_semaphore, #tpu.memory_space<semaphore_mem>>)
    %dma_wait3A = arith.constant 0 : i32
    %dma_wait3A_7 = arith.constant 0 : i32
    %dma_wait3A_8 = tpu.memref_slice %arg2[%dma_wait3A, %dma_wait3A_7] : memref<5120x16xf32, #tpu.memory_space<hbm>> -> memref<5120x16xf32, #tpu.memory_space<hbm>>
    tpu.wait_indirect_dma semaphore(%arg7 : memref<!tpu.dma_semaphore, #tpu.memory_space<semaphore_mem>>) src(%dma_wait3A_8 : memref<5120x16xf32, #tpu.memory_space<hbm>>) dst(%arg6 : memref<80x16xf32, #tpu.memory_space<vmem>>)
    "tpu.region"() ({
      %run_scoped3A = tpu.sem_alloc : memref<!tpu.dma_semaphore, #tpu.memory_space<semaphore_mem>>
      %dma_start3A_19 = arith.constant 0 : i32
      %dma_start3A_20 = tpu.memref_slice %arg4[%add3A_4, %dma_start3A_19] : memref<5120x16xf32, #tpu.memory_space<hbm>> -> memref<80x16xf32, #tpu.memory_space<hbm>>
      %dma_start3A_21 = arith.constant 0 : i32
      %dma_start3A_22 = tpu.memref_slice %arg4[%add3A_4, %dma_start3A_21] : memref<5120x16xf32, #tpu.memory_space<hbm>> -> memref<80x16xf32, #tpu.memory_space<hbm>>
      tpu.enqueue_dma source(%arg6 : memref<80x16xf32, #tpu.memory_space<vmem>>) target(%dma_start3A_22 : memref<80x16xf32, #tpu.memory_space<hbm>>) target_semaphore(%run_scoped3A : memref<!tpu.dma_semaphore, #tpu.memory_space<semaphore_mem>>)
      %dma_wait3A_23 = arith.constant 0 : i32
      %dma_wait3A_24 = tpu.memref_slice %arg4[%add3A_4, %dma_wait3A_23] : memref<5120x16xf32, #tpu.memory_space<hbm>> -> memref<80x16xf32, #tpu.memory_space<hbm>>
      %dma_wait3A_25 = arith.constant 0 : i32
      %dma_wait3A_26 = tpu.memref_slice %arg4[%add3A_4, %dma_wait3A_25] : memref<5120x16xf32, #tpu.memory_space<hbm>> -> memref<80x16xf32, #tpu.memory_space<hbm>>
      tpu.wait_dma2 semaphore(%run_scoped3A : memref<!tpu.dma_semaphore, #tpu.memory_space<semaphore_mem>>) src(%arg6 : memref<80x16xf32, #tpu.memory_space<vmem>>) dst(%dma_wait3A_26 : memref<80x16xf32, #tpu.memory_space<hbm>>)
      tpu.yield
    }) : () -> ()
    %mul3A_9 = arith.constant 160 : i32
    %mul3A_10 = arith.muli %add3A, %mul3A_9 : i32
    %add3A_11 = arith.constant 80 : i32
    %add3A_12 = arith.addi %mul3A_10, %add3A_11 : i32
    "tpu.region"() ({
      %run_scoped3A = tpu.sem_alloc : memref<!tpu.dma_semaphore, #tpu.memory_space<semaphore_mem>>
      %dma_start3A_19 = tpu.memref_slice %arg3[%add3A_12] : memref<5120xi32, #tpu.memory_space<hbm>> -> memref<80xi32, #tpu.memory_space<hbm>>
      %dma_start3A_20 = tpu.memref_slice %arg3[%add3A_12] : memref<5120xi32, #tpu.memory_space<hbm>> -> memref<80xi32, #tpu.memory_space<hbm>>
      tpu.enqueue_dma source(%dma_start3A_20 : memref<80xi32, #tpu.memory_space<hbm>>) target(%arg5 : memref<80xi32, #tpu.memory_space<vmem>>) target_semaphore(%run_scoped3A : memref<!tpu.dma_semaphore, #tpu.memory_space<semaphore_mem>>)
      %dma_wait3A_21 = tpu.memref_slice %arg3[%add3A_12] : memref<5120xi32, #tpu.memory_space<hbm>> -> memref<80xi32, #tpu.memory_space<hbm>>
      %dma_wait3A_22 = tpu.memref_slice %arg3[%add3A_12] : memref<5120xi32, #tpu.memory_space<hbm>> -> memref<80xi32, #tpu.memory_space<hbm>>
      tpu.wait_dma2 semaphore(%run_scoped3A : memref<!tpu.dma_semaphore, #tpu.memory_space<semaphore_mem>>) src(%dma_wait3A_22 : memref<80xi32, #tpu.memory_space<hbm>>) dst(%arg5 : memref<80xi32, #tpu.memory_space<vmem>>)
      tpu.yield
    }) : () -> ()
    %dma_start3A_13 = arith.constant 0 : i32
    %dma_start3A_14 = arith.constant 0 : i32
    %dma_start3A_15 = tpu.memref_slice %arg2[%dma_start3A_13, %dma_start3A_14] : memref<5120x16xf32, #tpu.memory_space<hbm>> -> memref<5120x16xf32, #tpu.memory_space<hbm>>
    tpu.enqueue_indirect_dma source(%dma_start3A_15 : memref<5120x16xf32, #tpu.memory_space<hbm>>) target(%arg6 : memref<80x16xf32, #tpu.memory_space<vmem>>) offsets(%arg5 : memref<80xi32, #tpu.memory_space<vmem>>) semaphore(%arg7 : memref<!tpu.dma_semaphore, #tpu.memory_space<semaphore_mem>>)
    %dma_wait3A_16 = arith.constant 0 : i32
    %dma_wait3A_17 = arith.constant 0 : i32
    %dma_wait3A_18 = tpu.memref_slice %arg2[%dma_wait3A_16, %dma_wait3A_17] : memref<5120x16xf32, #tpu.memory_space<hbm>> -> memref<5120x16xf32, #tpu.memory_space<hbm>>
    tpu.wait_indirect_dma semaphore(%arg7 : memref<!tpu.dma_semaphore, #tpu.memory_space<semaphore_mem>>) src(%dma_wait3A_18 : memref<5120x16xf32, #tpu.memory_space<hbm>>) dst(%arg6 : memref<80x16xf32, #tpu.memory_space<vmem>>)
    "tpu.region"() ({
      %run_scoped3A = tpu.sem_alloc : memref<!tpu.dma_semaphore, #tpu.memory_space<semaphore_mem>>
      %dma_start3A_19 = arith.constant 0 : i32
      %dma_start3A_20 = tpu.memref_slice %arg4[%add3A_12, %dma_start3A_19] : memref<5120x16xf32, #tpu.memory_space<hbm>> -> memref<80x16xf32, #tpu.memory_space<hbm>>
      %dma_start3A_21 = arith.constant 0 : i32
      %dma_start3A_22 = tpu.memref_slice %arg4[%add3A_12, %dma_start3A_21] : memref<5120x16xf32, #tpu.memory_space<hbm>> -> memref<80x16xf32, #tpu.memory_space<hbm>>
      tpu.enqueue_dma source(%arg6 : memref<80x16xf32, #tpu.memory_space<vmem>>) target(%dma_start3A_22 : memref<80x16xf32, #tpu.memory_space<hbm>>) target_semaphore(%run_scoped3A : memref<!tpu.dma_semaphore, #tpu.memory_space<semaphore_mem>>)
      %dma_wait3A_23 = arith.constant 0 : i32
      %dma_wait3A_24 = tpu.memref_slice %arg4[%add3A_12, %dma_wait3A_23] : memref<5120x16xf32, #tpu.memory_space<hbm>> -> memref<80x16xf32, #tpu.memory_space<hbm>>
      %dma_wait3A_25 = arith.constant 0 : i32
      %dma_wait3A_26 = tpu.memref_slice %arg4[%add3A_12, %dma_wait3A_25] : memref<5120x16xf32, #tpu.memory_space<hbm>> -> memref<80x16xf32, #tpu.memory_space<hbm>>
      tpu.wait_dma2 semaphore(%run_scoped3A : memref<!tpu.dma_semaphore, #tpu.memory_space<semaphore_mem>>) src(%arg6 : memref<80x16xf32, #tpu.memory_space<vmem>>) dst(%dma_wait3A_26 : memref<80x16xf32, #tpu.memory_space<hbm>>)
      tpu.yield
    }) : () -> ()
    return
  }
}

module attributes {stable_mosaic.version = 14 : i64} {
  func.func @_nms_body(%arg0: memref<40x128xf32, #tpu.memory_space<vmem>>, %arg1: memref<40x128xf32, #tpu.memory_space<vmem>>, %arg2: memref<40x128xf32, #tpu.memory_space<vmem>>, %arg3: memref<40x128xf32, #tpu.memory_space<vmem>>, %arg4: memref<40x128xf32, #tpu.memory_space<vmem>>, %arg5: memref<40x128xf32, #tpu.memory_space<vmem>>, %arg6: memref<8x5120xf32, #tpu.memory_space<vmem>>, %arg7: memref<40xf32, #tpu.memory_space<smem>>, %arg8: memref<104x8xf32, #tpu.memory_space<vmem>>, %arg9: memref<40x128xf32, #tpu.memory_space<vmem>>, %arg10: memref<40x128xf32, #tpu.memory_space<vmem>>) attributes {dimension_semantics = [], scalar_prefetch = 0 : i64, scratch_operands = 2 : i64, tpu.core_type = #tpu.core_type<tc>} {
    %broadcast_in_dim3A = arith.constant 0.000000e+00 : f32
    %broadcast_in_dim3A_0 = vector.broadcast %broadcast_in_dim3A : f32 to vector<40x128xf32>
    %swap3A = arith.constant 0 : index
    %swap3A_1 = arith.constant 0 : index
    %swap3A_2 = vector.load %arg9[%swap3A, %swap3A_1] : memref<40x128xf32, #tpu.memory_space<vmem>>, vector<40x128xf32>
    tpu.vector_store %arg9[%swap3A, %swap3A_1], %broadcast_in_dim3A_0 {strides = array<i32>} : memref<40x128xf32, #tpu.memory_space<vmem>>, vector<40x128xf32>,
    %iota3A = tpu.iota {dimensions = array<i32: 0>} : vector<128x128xi32>
    %iota3A_3 = tpu.iota {dimensions = array<i32: 1>} : vector<128x128xi32>
    %lt3A = arith.cmpi slt, %iota3A, %iota3A_3 : vector<128x128xi32>
    %convert_element_type3A = arith.extui %lt3A : vector<128x128xi1> to vector<128x128xi32>
    %convert_element_type3A_4 = arith.sitofp %convert_element_type3A : vector<128x128xi32> to vector<128x128xf32>
    %get3A = arith.constant 0 : index
    %get3A_5 = memref.load %arg7[%get3A] : memref<40xf32, #tpu.memory_space<smem>>
    %gt3A = arith.constant 5.000000e-02 : f32
    %gt3A_6 = arith.cmpf ogt, %get3A_5, %gt3A : f32
    %while3A = arith.constant 0 : i32
    %while3A_7 = arith.constant 0.000000e+00 : f32
    %while3A_8:3 = scf.while (%while3A_55 = %while3A, %while3A_56 = %while3A_7, %while3A_57 = %gt3A_6) : (i32, f32, i1) -> (i32, f32, i1) {
      scf.condition(%while3A_57) %while3A_55, %while3A_56, %while3A_57 : i32, f32, i1
    } do {
    ^bb0(%while3A_55: i32, %while3A_56: f32, %while3A_57: i1):
      %get3A_58 = arith.index_cast %while3A_55 : i32 to index
      %get3A_59 = arith.constant 0 : index
      %get3A_60 = vector.load %arg0[%get3A_58, %get3A_59] : memref<40x128xf32, #tpu.memory_space<vmem>>, vector<1x128xf32>
      %get3A_61 = arith.index_cast %while3A_55 : i32 to index
      %get3A_62 = arith.constant 0 : index
      %get3A_63 = vector.load %arg1[%get3A_61, %get3A_62] : memref<40x128xf32, #tpu.memory_space<vmem>>, vector<1x128xf32>
      %get3A_64 = arith.index_cast %while3A_55 : i32 to index
      %get3A_65 = arith.constant 0 : index
      %get3A_66 = vector.load %arg2[%get3A_64, %get3A_65] : memref<40x128xf32, #tpu.memory_space<vmem>>, vector<1x128xf32>
      %get3A_67 = arith.index_cast %while3A_55 : i32 to index
      %get3A_68 = arith.constant 0 : index
      %get3A_69 = vector.load %arg3[%get3A_67, %get3A_68] : memref<40x128xf32, #tpu.memory_space<vmem>>, vector<1x128xf32>
      %get3A_70 = arith.index_cast %while3A_55 : i32 to index
      %get3A_71 = arith.constant 0 : index
      %get3A_72 = vector.load %arg4[%get3A_70, %get3A_71] : memref<40x128xf32, #tpu.memory_space<vmem>>, vector<1x128xf32>
      %broadcast_in_dim3A_73 = arith.constant 0.000000e+00 : f32
      %broadcast_in_dim3A_74 = vector.broadcast %broadcast_in_dim3A_73 : f32 to vector<1x128xf32>
      %while3A_75 = arith.constant 0 : i32
      %while3A_76 = arith.subi %while3A_55, %while3A_75 : i32
      %while3A_77 = arith.addi %while3A_75, %while3A_76 : i32
      %while3A_78 = arith.constant 1 : i32
      %while3A_79 = arith.divsi %while3A_76, %while3A_78 : i32
      %while3A_80 = arith.muli %while3A_79, %while3A_78 : i32
      %while3A_81 = arith.addi %while3A_75, %while3A_80 : i32
      %while3A_82 = arith.constant 1 : i32
      %while3A_83 = scf.for %while3A_164 = %while3A_75 to %while3A_81 step %while3A_82 iter_args(%while3A_165 = %broadcast_in_dim3A_74) -> (vector<1x128xf32>)  : i32 {
        %mul3A_166 = arith.constant 128 : i32
        %mul3A_167 = arith.muli %while3A_164, %mul3A_166 : i32
        %get3A_168 = arith.constant 0 : index
        %get3A_169 = arith.index_cast %mul3A_167 : i32 to index
        %get3A_170 = vector.load %arg6[%get3A_168, %get3A_169] : memref<8x5120xf32, #tpu.memory_space<vmem>>, vector<8x128xf32>
        %transpose3A_171 = tpu.transpose %get3A_170, [1, 0] : vector<8x128xf32> -> vector<128x8xf32>
        %slice3A_172 = vector.extract_strided_slice %transpose3A_171 {offsets = [0, 0], sizes = [128, 1], strides = [1, 1]} : vector<128x8xf32> to vector<128x1xf32>
        %slice3A_173 = vector.extract_strided_slice %transpose3A_171 {offsets = [0, 1], sizes = [128, 1], strides = [1, 1]} : vector<128x8xf32> to vector<128x1xf32>
        %slice3A_174 = vector.extract_strided_slice %transpose3A_171 {offsets = [0, 2], sizes = [128, 1], strides = [1, 1]} : vector<128x8xf32> to vector<128x1xf32>
        %slice3A_175 = vector.extract_strided_slice %transpose3A_171 {offsets = [0, 3], sizes = [128, 1], strides = [1, 1]} : vector<128x8xf32> to vector<128x1xf32>
        %slice3A_176 = vector.extract_strided_slice %transpose3A_171 {offsets = [0, 5], sizes = [128, 1], strides = [1, 1]} : vector<128x8xf32> to vector<128x1xf32>
        %min3A_177 = vector.broadcast %slice3A_174 : vector<128x1xf32> to vector<128x128xf32>
        %min3A_178 = vector.broadcast %get3A_66 : vector<1x128xf32> to vector<128x128xf32>
        %min3A_179 = arith.minimumf %min3A_177, %min3A_178 : vector<128x128xf32>
        %max3A_180 = vector.broadcast %slice3A_172 : vector<128x1xf32> to vector<128x128xf32>
        %max3A_181 = vector.broadcast %get3A_60 : vector<1x128xf32> to vector<128x128xf32>
        %max3A_182 = arith.maximumf %max3A_180, %max3A_181 : vector<128x128xf32>
        %sub3A_183 = arith.subf %min3A_179, %max3A_182 : vector<128x128xf32>
        %max3A_184 = arith.constant 0.000000e+00 : f32
        %max3A_185 = vector.broadcast %max3A_184 : f32 to vector<128x128xf32>
        %max3A_186 = arith.maximumf %sub3A_183, %max3A_185 : vector<128x128xf32>
        %min3A_187 = vector.broadcast %slice3A_175 : vector<128x1xf32> to vector<128x128xf32>
        %min3A_188 = vector.broadcast %get3A_69 : vector<1x128xf32> to vector<128x128xf32>
        %min3A_189 = arith.minimumf %min3A_187, %min3A_188 : vector<128x128xf32>
        %max3A_190 = vector.broadcast %slice3A_173 : vector<128x1xf32> to vector<128x128xf32>
        %max3A_191 = vector.broadcast %get3A_63 : vector<1x128xf32> to vector<128x128xf32>
        %max3A_192 = arith.maximumf %max3A_190, %max3A_191 : vector<128x128xf32>
        %sub3A_193 = arith.subf %min3A_189, %max3A_192 : vector<128x128xf32>
        %max3A_194 = arith.constant 0.000000e+00 : f32
        %max3A_195 = vector.broadcast %max3A_194 : f32 to vector<128x128xf32>
        %max3A_196 = arith.maximumf %sub3A_193, %max3A_195 : vector<128x128xf32>
        %mul3A_197 = arith.mulf %max3A_186, %max3A_196 : vector<128x128xf32>
        %add3A_198 = vector.broadcast %slice3A_176 : vector<128x1xf32> to vector<128x128xf32>
        %add3A_199 = vector.broadcast %get3A_72 : vector<1x128xf32> to vector<128x128xf32>
        %add3A_200 = arith.addf %add3A_198, %add3A_199 : vector<128x128xf32>
        %sub3A_201 = arith.subf %add3A_200, %mul3A_197 : vector<128x128xf32>
        %add3A_202 = arith.constant 9.99999971E-10 : f32
        %add3A_203 = vector.broadcast %add3A_202 : f32 to vector<128x128xf32>
        %add3A_204 = arith.addf %sub3A_201, %add3A_203 : vector<128x128xf32>
        %div3A_205 = arith.divf %mul3A_197, %add3A_204 : vector<128x128xf32>
        %gt3A_206 = arith.constant 5.000000e-01 : f32
        %gt3A_207 = vector.broadcast %gt3A_206 : f32 to vector<128x128xf32>
        %gt3A_208 = arith.cmpf ogt, %div3A_205, %gt3A_207 : vector<128x128xf32>
        %convert_element_type3A_209 = arith.extui %gt3A_208 : vector<128x128xi1> to vector<128x128xi32>
        %convert_element_type3A_210 = arith.sitofp %convert_element_type3A_209 : vector<128x128xi32> to vector<128x128xf32>
        %get3A_211 = arith.index_cast %while3A_164 : i32 to index
        %get3A_212 = arith.constant 0 : index
        %get3A_213 = vector.load %arg9[%get3A_211, %get3A_212] : memref<40x128xf32, #tpu.memory_space<vmem>>, vector<1x128xf32>
        %dot_general3A_214 = arith.constant dense<0.000000e+00> : vector<1x128xf32>
        %dot_general3A_215 = tpu.matmul %get3A_213, %convert_element_type3A_210, %dot_general3A_214 {dimension_numbers = #tpu.dot_dimension_numbers<[1], [0], [0], [1], [0, 0, 1, 1], [], []>, transpose_lhs_hint = false} : vector<1x128xf32>, vector<128x128xf32>, vector<1x128xf32> -> vector<1x128xf32>
        %add3A_216 = arith.addf %while3A_165, %dot_general3A_215 : vector<1x128xf32>
        scf.yield %add3A_216 : vector<1x128xf32>
      }
      %while3A_84 = arith.constant 1 : i32
      %while3A_85 = scf.for %while3A_164 = %while3A_81 to %while3A_77 step %while3A_84 iter_args(%while3A_165 = %while3A_83) -> (vector<1x128xf32>)  : i32 {
        %mul3A_166 = arith.constant 128 : i32
        %mul3A_167 = arith.muli %while3A_164, %mul3A_166 : i32
        %get3A_168 = arith.constant 0 : index
        %get3A_169 = arith.index_cast %mul3A_167 : i32 to index
        %get3A_170 = vector.load %arg6[%get3A_168, %get3A_169] : memref<8x5120xf32, #tpu.memory_space<vmem>>, vector<8x128xf32>
        %transpose3A_171 = tpu.transpose %get3A_170, [1, 0] : vector<8x128xf32> -> vector<128x8xf32>
        %slice3A_172 = vector.extract_strided_slice %transpose3A_171 {offsets = [0, 0], sizes = [128, 1], strides = [1, 1]} : vector<128x8xf32> to vector<128x1xf32>
        %slice3A_173 = vector.extract_strided_slice %transpose3A_171 {offsets = [0, 1], sizes = [128, 1], strides = [1, 1]} : vector<128x8xf32> to vector<128x1xf32>
        %slice3A_174 = vector.extract_strided_slice %transpose3A_171 {offsets = [0, 2], sizes = [128, 1], strides = [1, 1]} : vector<128x8xf32> to vector<128x1xf32>
        %slice3A_175 = vector.extract_strided_slice %transpose3A_171 {offsets = [0, 3], sizes = [128, 1], strides = [1, 1]} : vector<128x8xf32> to vector<128x1xf32>
        %slice3A_176 = vector.extract_strided_slice %transpose3A_171 {offsets = [0, 5], sizes = [128, 1], strides = [1, 1]} : vector<128x8xf32> to vector<128x1xf32>
        %min3A_177 = vector.broadcast %slice3A_174 : vector<128x1xf32> to vector<128x128xf32>
        %min3A_178 = vector.broadcast %get3A_66 : vector<1x128xf32> to vector<128x128xf32>
        %min3A_179 = arith.minimumf %min3A_177, %min3A_178 : vector<128x128xf32>
        %max3A_180 = vector.broadcast %slice3A_172 : vector<128x1xf32> to vector<128x128xf32>
        %max3A_181 = vector.broadcast %get3A_60 : vector<1x128xf32> to vector<128x128xf32>
        %max3A_182 = arith.maximumf %max3A_180, %max3A_181 : vector<128x128xf32>
        %sub3A_183 = arith.subf %min3A_179, %max3A_182 : vector<128x128xf32>
        %max3A_184 = arith.constant 0.000000e+00 : f32
        %max3A_185 = vector.broadcast %max3A_184 : f32 to vector<128x128xf32>
        %max3A_186 = arith.maximumf %sub3A_183, %max3A_185 : vector<128x128xf32>
        %min3A_187 = vector.broadcast %slice3A_175 : vector<128x1xf32> to vector<128x128xf32>
        %min3A_188 = vector.broadcast %get3A_69 : vector<1x128xf32> to vector<128x128xf32>
        %min3A_189 = arith.minimumf %min3A_187, %min3A_188 : vector<128x128xf32>
        %max3A_190 = vector.broadcast %slice3A_173 : vector<128x1xf32> to vector<128x128xf32>
        %max3A_191 = vector.broadcast %get3A_63 : vector<1x128xf32> to vector<128x128xf32>
        %max3A_192 = arith.maximumf %max3A_190, %max3A_191 : vector<128x128xf32>
        %sub3A_193 = arith.subf %min3A_189, %max3A_192 : vector<128x128xf32>
        %max3A_194 = arith.constant 0.000000e+00 : f32
        %max3A_195 = vector.broadcast %max3A_194 : f32 to vector<128x128xf32>
        %max3A_196 = arith.maximumf %sub3A_193, %max3A_195 : vector<128x128xf32>
        %mul3A_197 = arith.mulf %max3A_186, %max3A_196 : vector<128x128xf32>
        %add3A_198 = vector.broadcast %slice3A_176 : vector<128x1xf32> to vector<128x128xf32>
        %add3A_199 = vector.broadcast %get3A_72 : vector<1x128xf32> to vector<128x128xf32>
        %add3A_200 = arith.addf %add3A_198, %add3A_199 : vector<128x128xf32>
        %sub3A_201 = arith.subf %add3A_200, %mul3A_197 : vector<128x128xf32>
        %add3A_202 = arith.constant 9.99999971E-10 : f32
        %add3A_203 = vector.broadcast %add3A_202 : f32 to vector<128x128xf32>
        %add3A_204 = arith.addf %sub3A_201, %add3A_203 : vector<128x128xf32>
        %div3A_205 = arith.divf %mul3A_197, %add3A_204 : vector<128x128xf32>
        %gt3A_206 = arith.constant 5.000000e-01 : f32
        %gt3A_207 = vector.broadcast %gt3A_206 : f32 to vector<128x128xf32>
        %gt3A_208 = arith.cmpf ogt, %div3A_205, %gt3A_207 : vector<128x128xf32>
        %convert_element_type3A_209 = arith.extui %gt3A_208 : vector<128x128xi1> to vector<128x128xi32>
        %convert_element_type3A_210 = arith.sitofp %convert_element_type3A_209 : vector<128x128xi32> to vector<128x128xf32>
        %get3A_211 = arith.index_cast %while3A_164 : i32 to index
        %get3A_212 = arith.constant 0 : index
        %get3A_213 = vector.load %arg9[%get3A_211, %get3A_212] : memref<40x128xf32, #tpu.memory_space<vmem>>, vector<1x128xf32>
        %dot_general3A_214 = arith.constant dense<0.000000e+00> : vector<1x128xf32>
        %dot_general3A_215 = tpu.matmul %get3A_213, %convert_element_type3A_210, %dot_general3A_214 {dimension_numbers = #tpu.dot_dimension_numbers<[1], [0], [0], [1], [0, 0, 1, 1], [], []>, transpose_lhs_hint = false} : vector<1x128xf32>, vector<128x128xf32>, vector<1x128xf32> -> vector<1x128xf32>
        %add3A_216 = arith.addf %while3A_165, %dot_general3A_215 : vector<1x128xf32>
        scf.yield %add3A_216 : vector<1x128xf32>
      }
      %eq3A = arith.constant 0.000000e+00 : f32
      %eq3A_86 = vector.broadcast %eq3A : f32 to vector<1x128xf32>
      %eq3A_87 = arith.cmpf oeq, %while3A_85, %eq3A_86 : vector<1x128xf32>
      %convert_element_type3A_88 = arith.extui %eq3A_87 : vector<1x128xi1> to vector<1x128xi32>
      %convert_element_type3A_89 = arith.sitofp %convert_element_type3A_88 : vector<1x128xi32> to vector<1x128xf32>
      %mul3A_90 = arith.constant 128 : i32
      %mul3A_91 = arith.muli %while3A_55, %mul3A_90 : i32
      %get3A_92 = arith.constant 0 : index
      %get3A_93 = arith.index_cast %mul3A_91 : i32 to index
      %get3A_94 = vector.load %arg6[%get3A_92, %get3A_93] : memref<8x5120xf32, #tpu.memory_space<vmem>>, vector<8x128xf32>
      %transpose3A = tpu.transpose %get3A_94, [1, 0] : vector<8x128xf32> -> vector<128x8xf32>
      %slice3A_95 = vector.extract_strided_slice %transpose3A {offsets = [0, 0], sizes = [128, 1], strides = [1, 1]} : vector<128x8xf32> to vector<128x1xf32>
      %slice3A_96 = vector.extract_strided_slice %transpose3A {offsets = [0, 1], sizes = [128, 1], strides = [1, 1]} : vector<128x8xf32> to vector<128x1xf32>
      %slice3A_97 = vector.extract_strided_slice %transpose3A {offsets = [0, 2], sizes = [128, 1], strides = [1, 1]} : vector<128x8xf32> to vector<128x1xf32>
      %slice3A_98 = vector.extract_strided_slice %transpose3A {offsets = [0, 3], sizes = [128, 1], strides = [1, 1]} : vector<128x8xf32> to vector<128x1xf32>
      %slice3A_99 = vector.extract_strided_slice %transpose3A {offsets = [0, 5], sizes = [128, 1], strides = [1, 1]} : vector<128x8xf32> to vector<128x1xf32>
      %min3A = vector.broadcast %slice3A_97 : vector<128x1xf32> to vector<128x128xf32>
      %min3A_100 = vector.broadcast %get3A_66 : vector<1x128xf32> to vector<128x128xf32>
      %min3A_101 = arith.minimumf %min3A, %min3A_100 : vector<128x128xf32>
      %max3A = vector.broadcast %slice3A_95 : vector<128x1xf32> to vector<128x128xf32>
      %max3A_102 = vector.broadcast %get3A_60 : vector<1x128xf32> to vector<128x128xf32>
      %max3A_103 = arith.maximumf %max3A, %max3A_102 : vector<128x128xf32>
      %sub3A_104 = arith.subf %min3A_101, %max3A_103 : vector<128x128xf32>
      %max3A_105 = arith.constant 0.000000e+00 : f32
      %max3A_106 = vector.broadcast %max3A_105 : f32 to vector<128x128xf32>
      %max3A_107 = arith.maximumf %sub3A_104, %max3A_106 : vector<128x128xf32>
      %min3A_108 = vector.broadcast %slice3A_98 : vector<128x1xf32> to vector<128x128xf32>
      %min3A_109 = vector.broadcast %get3A_69 : vector<1x128xf32> to vector<128x128xf32>
      %min3A_110 = arith.minimumf %min3A_108, %min3A_109 : vector<128x128xf32>
      %max3A_111 = vector.broadcast %slice3A_96 : vector<128x1xf32> to vector<128x128xf32>
      %max3A_112 = vector.broadcast %get3A_63 : vector<1x128xf32> to vector<128x128xf32>
      %max3A_113 = arith.maximumf %max3A_111, %max3A_112 : vector<128x128xf32>
      %sub3A_114 = arith.subf %min3A_110, %max3A_113 : vector<128x128xf32>
      %max3A_115 = arith.constant 0.000000e+00 : f32
      %max3A_116 = vector.broadcast %max3A_115 : f32 to vector<128x128xf32>
      %max3A_117 = arith.maximumf %sub3A_114, %max3A_116 : vector<128x128xf32>
      %mul3A_118 = arith.mulf %max3A_107, %max3A_117 : vector<128x128xf32>
      %add3A_119 = vector.broadcast %slice3A_99 : vector<128x1xf32> to vector<128x128xf32>
      %add3A_120 = vector.broadcast %get3A_72 : vector<1x128xf32> to vector<128x128xf32>
      %add3A_121 = arith.addf %add3A_119, %add3A_120 : vector<128x128xf32>
      %sub3A_122 = arith.subf %add3A_121, %mul3A_118 : vector<128x128xf32>
      %add3A_123 = arith.constant 9.99999971E-10 : f32
      %add3A_124 = vector.broadcast %add3A_123 : f32 to vector<128x128xf32>
      %add3A_125 = arith.addf %sub3A_122, %add3A_124 : vector<128x128xf32>
      %div3A = arith.divf %mul3A_118, %add3A_125 : vector<128x128xf32>
      %gt3A_126 = arith.constant 5.000000e-01 : f32
      %gt3A_127 = vector.broadcast %gt3A_126 : f32 to vector<128x128xf32>
      %gt3A_128 = arith.cmpf ogt, %div3A, %gt3A_127 : vector<128x128xf32>
      %convert_element_type3A_129 = arith.extui %gt3A_128 : vector<128x128xi1> to vector<128x128xi32>
      %convert_element_type3A_130 = arith.sitofp %convert_element_type3A_129 : vector<128x128xi32> to vector<128x128xf32>
      %mul3A_131 = arith.mulf %convert_element_type3A_130, %convert_element_type3A_4 : vector<128x128xf32>
      %while3A_132 = arith.constant true
      %while3A_133:2 = scf.while (%while3A_164 = %convert_element_type3A_89, %while3A_165 = %while3A_132) : (vector<1x128xf32>, i1) -> (vector<1x128xf32>, i1) {
        scf.condition(%while3A_165) %while3A_164, %while3A_165 : vector<1x128xf32>, i1
      } do {
      ^bb0(%while3A_164: vector<1x128xf32>, %while3A_165: i1):
        %dot_general3A_166 = arith.constant dense<0.000000e+00> : vector<1x128xf32>
        %dot_general3A_167 = tpu.matmul %while3A_164, %mul3A_131, %dot_general3A_166 {dimension_numbers = #tpu.dot_dimension_numbers<[1], [0], [0], [1], [0, 0, 1, 1], [], []>, transpose_lhs_hint = false} : vector<1x128xf32>, vector<128x128xf32>, vector<1x128xf32> -> vector<1x128xf32>
        %eq3A_168 = arith.constant 0.000000e+00 : f32
        %eq3A_169 = vector.broadcast %eq3A_168 : f32 to vector<1x128xf32>
        %eq3A_170 = arith.cmpf oeq, %dot_general3A_167, %eq3A_169 : vector<1x128xf32>
        %convert_element_type3A_171 = arith.extui %eq3A_170 : vector<1x128xi1> to vector<1x128xi32>
        %convert_element_type3A_172 = arith.sitofp %convert_element_type3A_171 : vector<1x128xi32> to vector<1x128xf32>
        %mul3A_173 = arith.mulf %convert_element_type3A_89, %convert_element_type3A_172 : vector<1x128xf32>
        %ne3A = arith.cmpf one, %mul3A_173, %while3A_164 : vector<1x128xf32>
        %reduce_or3A = arith.constant 1.000000e+00 : f32
        %reduce_or3A_174 = arith.constant 0.000000e+00 : f32
        %reduce_or3A_175 = vector.broadcast %reduce_or3A : f32 to vector<1x128xf32>
        %reduce_or3A_176 = vector.broadcast %reduce_or3A_174 : f32 to vector<1x128xf32>
        %reduce_or3A_177 = arith.select %ne3A, %reduce_or3A_175, %reduce_or3A_176 : vector<1x128xi1>, vector<1x128xf32>
        %reduce_or3A_178 = vector.shape_cast %reduce_or3A_177 : vector<1x128xf32> to vector<1x1x128xf32>
        %reduce_or3A_179 = arith.constant dense<0xFF800000> : vector<1xf32>
        %reduce_or3A_180 = vector.multi_reduction <maximumf>, %reduce_or3A_178, %reduce_or3A_179 [1, 2] : vector<1x1x128xf32> to vector<1xf32>
        %reduce_or3A_181 = vector.shape_cast %reduce_or3A_180 : vector<1xf32> to vector<1x1x1xf32>
        %reduce_or3A_182 = vector.extract %reduce_or3A_181[0, 0, 0] : f32 from vector<1x1x1xf32>
        %reduce_or3A_183 = arith.constant 0.000000e+00 : f32
        %reduce_or3A_184 = arith.cmpf ogt, %reduce_or3A_182, %reduce_or3A_183 : f32
        scf.yield %mul3A_173, %reduce_or3A_184 : vector<1x128xf32>, i1
      }
      %swap3A_134 = arith.index_cast %while3A_55 : i32 to index
      %swap3A_135 = arith.constant 0 : index
      %swap3A_136 = vector.load %arg9[%swap3A_134, %swap3A_135] : memref<40x128xf32, #tpu.memory_space<vmem>>, vector<1x128xf32>
      tpu.vector_store %arg9[%swap3A_134, %swap3A_135], %while3A_133#0 {strides = array<i32>} : memref<40x128xf32, #tpu.memory_space<vmem>>, vector<1x128xf32>,
      %get3A_137 = arith.index_cast %while3A_55 : i32 to index
      %get3A_138 = arith.constant 0 : index
      %get3A_139 = vector.load %arg5[%get3A_137, %get3A_138] : memref<40x128xf32, #tpu.memory_space<vmem>>, vector<1x128xf32>
      %gt3A_140 = arith.constant 5.000000e-02 : f32
      %gt3A_141 = vector.broadcast %gt3A_140 : f32 to vector<1x128xf32>
      %gt3A_142 = arith.cmpf ogt, %get3A_139, %gt3A_141 : vector<1x128xf32>
      %convert_element_type3A_143 = arith.extui %gt3A_142 : vector<1x128xi1> to vector<1x128xi32>
      %convert_element_type3A_144 = arith.sitofp %convert_element_type3A_143 : vector<1x128xi32> to vector<1x128xf32>
      %mul3A_145 = arith.mulf %while3A_133#0, %convert_element_type3A_144 : vector<1x128xf32>
      %reduce_sum3A = vector.shape_cast %mul3A_145 : vector<1x128xf32> to vector<1x1x128xf32>
      %reduce_sum3A_146 = arith.constant dense<0.000000e+00> : vector<1xf32>
      %reduce_sum3A_147 = vector.multi_reduction <add>, %reduce_sum3A, %reduce_sum3A_146 [1, 2] : vector<1x1x128xf32> to vector<1xf32>
      %reduce_sum3A_148 = vector.shape_cast %reduce_sum3A_147 : vector<1xf32> to vector<1x1x1xf32>
      %reduce_sum3A_149 = vector.extract %reduce_sum3A_148[0, 0, 0] : f32 from vector<1x1x1xf32>
      %add3A_150 = arith.addf %while3A_56, %reduce_sum3A_149 : f32
      %add3A_151 = arith.constant 1 : i32
      %add3A_152 = arith.addi %while3A_55, %add3A_151 : i32
      %lt3A_153 = arith.constant 40 : i32
      %lt3A_154 = arith.cmpi slt, %add3A_152, %lt3A_153 : i32
      %lt3A_155 = arith.constant 1.000000e+02 : f32
      %lt3A_156 = arith.cmpf olt, %add3A_150, %lt3A_155 : f32
      %and3A = arith.andi %lt3A_154, %lt3A_156 : i1
      %min3A_157 = arith.constant 39 : i32
      %min3A_158 = arith.minsi %add3A_152, %min3A_157 : i32
      %get3A_159 = arith.index_cast %min3A_158 : i32 to index
      %get3A_160 = memref.load %arg7[%get3A_159] : memref<40xf32, #tpu.memory_space<smem>>
      %gt3A_161 = arith.constant 5.000000e-02 : f32
      %gt3A_162 = arith.cmpf ogt, %get3A_160, %gt3A_161 : f32
      %and3A_163 = arith.andi %and3A, %gt3A_162 : i1
      scf.yield %add3A_152, %add3A_150, %and3A_163 : i32, f32, i1
    }
    %get3A_9 = arith.constant 0 : index
    %get3A_10 = arith.constant 0 : index
    %get3A_11 = vector.load %arg9[%get3A_9, %get3A_10] : memref<40x128xf32, #tpu.memory_space<vmem>>, vector<40x128xf32>
    %get3A_12 = arith.constant 0 : index
    %get3A_13 = arith.constant 0 : index
    %get3A_14 = vector.load %arg5[%get3A_12, %get3A_13] : memref<40x128xf32, #tpu.memory_space<vmem>>, vector<40x128xf32>
    %gt3A_15 = arith.constant 5.000000e-02 : f32
    %gt3A_16 = vector.broadcast %gt3A_15 : f32 to vector<40x128xf32>
    %gt3A_17 = arith.cmpf ogt, %get3A_14, %gt3A_16 : vector<40x128xf32>
    %convert_element_type3A_18 = arith.extui %gt3A_17 : vector<40x128xi1> to vector<40x128xi32>
    %convert_element_type3A_19 = arith.sitofp %convert_element_type3A_18 : vector<40x128xi32> to vector<40x128xf32>
    %mul3A = arith.mulf %get3A_11, %convert_element_type3A_19 : vector<40x128xf32>
    %le3A = arith.cmpi sle, %iota3A, %iota3A_3 : vector<128x128xi32>
    %convert_element_type3A_20 = arith.extui %le3A : vector<128x128xi1> to vector<128x128xi32>
    %convert_element_type3A_21 = arith.sitofp %convert_element_type3A_20 : vector<128x128xi32> to vector<128x128xf32>
    %dot_general3A = arith.constant dense<0.000000e+00> : vector<40x128xf32>
    %dot_general3A_22 = tpu.matmul %mul3A, %convert_element_type3A_21, %dot_general3A {dimension_numbers = #tpu.dot_dimension_numbers<[1], [0], [0], [1], [0, 0, 1, 1], [], []>, transpose_lhs_hint = false} : vector<40x128xf32>, vector<128x128xf32>, vector<40x128xf32> -> vector<40x128xf32>
    %slice3A = vector.extract_strided_slice %dot_general3A_22 {offsets = [0, 127], sizes = [40, 1], strides = [1, 1]} : vector<40x128xf32> to vector<40x1xf32>
    %iota3A_23 = tpu.iota {dimensions = array<i32: 0>} : vector<40x40xi32>
    %iota3A_24 = tpu.iota {dimensions = array<i32: 1>} : vector<40x40xi32>
    %lt3A_25 = arith.cmpi slt, %iota3A_24, %iota3A_23 : vector<40x40xi32>
    %convert_element_type3A_26 = arith.extui %lt3A_25 : vector<40x40xi1> to vector<40x40xi32>
    %convert_element_type3A_27 = arith.sitofp %convert_element_type3A_26 : vector<40x40xi32> to vector<40x40xf32>
    %dot_general3A_28 = arith.constant dense<0.000000e+00> : vector<40x1xf32>
    %dot_general3A_29 = tpu.matmul %convert_element_type3A_27, %slice3A, %dot_general3A_28 {dimension_numbers = #tpu.dot_dimension_numbers<[1], [0], [0], [1], [0, 0, 1, 1], [], []>, transpose_lhs_hint = false} : vector<40x40xf32>, vector<40x1xf32>, vector<40x1xf32> -> vector<40x1xf32>
    %add3A = vector.broadcast %dot_general3A_29 : vector<40x1xf32> to vector<40x128xf32>
    %add3A_30 = arith.addf %dot_general3A_22, %add3A : vector<40x128xf32>
    %sub3A = arith.subf %add3A_30, %mul3A : vector<40x128xf32>
    %swap3A_31 = arith.constant 0 : index
    %swap3A_32 = arith.constant 0 : index
    %swap3A_33 = vector.load %arg10[%swap3A_31, %swap3A_32] : memref<40x128xf32, #tpu.memory_space<vmem>>, vector<40x128xf32>
    tpu.vector_store %arg10[%swap3A_31, %swap3A_32], %sub3A {strides = array<i32>} : memref<40x128xf32, #tpu.memory_space<vmem>>, vector<40x128xf32>,
    %swap3A_34 = arith.constant 0 : index
    %swap3A_35 = arith.constant 0 : index
    %swap3A_36 = vector.load %arg9[%swap3A_34, %swap3A_35] : memref<40x128xf32, #tpu.memory_space<vmem>>, vector<40x128xf32>
    tpu.vector_store %arg9[%swap3A_34, %swap3A_35], %mul3A {strides = array<i32>} : memref<40x128xf32, #tpu.memory_space<vmem>>, vector<40x128xf32>,
    %iota3A_37 = tpu.iota {dimensions = array<i32: 0>} : vector<104x1xi32>
    %convert_element_type3A_38 = arith.sitofp %iota3A_37 : vector<104x1xi32> to vector<104x1xf32>
    %broadcast_in_dim3A_39 = arith.constant 0.000000e+00 : f32
    %broadcast_in_dim3A_40 = vector.broadcast %broadcast_in_dim3A_39 : f32 to vector<104x8xf32>
    %while3A_41 = arith.constant 0 : i32
    %while3A_42 = arith.subi %while3A_8#0, %while3A_41 : i32
    %while3A_43 = arith.addi %while3A_41, %while3A_42 : i32
    %while3A_44 = arith.constant 1 : i32
    %while3A_45 = arith.divsi %while3A_42, %while3A_44 : i32
    %while3A_46 = arith.muli %while3A_45, %while3A_44 : i32
    %while3A_47 = arith.addi %while3A_41, %while3A_46 : i32
    %while3A_48 = arith.constant 1 : i32
    %while3A_49 = scf.for %while3A_55 = %while3A_41 to %while3A_47 step %while3A_48 iter_args(%while3A_56 = %broadcast_in_dim3A_40) -> (vector<104x8xf32>)  : i32 {
      %get3A_57 = arith.index_cast %while3A_55 : i32 to index
      %get3A_58 = arith.constant 0 : index
      %get3A_59 = vector.load %arg10[%get3A_57, %get3A_58] : memref<40x128xf32, #tpu.memory_space<vmem>>, vector<1x128xf32>
      %get3A_60 = arith.index_cast %while3A_55 : i32 to index
      %get3A_61 = arith.constant 0 : index
      %get3A_62 = vector.load %arg9[%get3A_60, %get3A_61] : memref<40x128xf32, #tpu.memory_space<vmem>>, vector<1x128xf32>
      %eq3A = vector.broadcast %convert_element_type3A_38 : vector<104x1xf32> to vector<104x128xf32>
      %eq3A_63 = vector.broadcast %get3A_59 : vector<1x128xf32> to vector<104x128xf32>
      %eq3A_64 = arith.cmpf oeq, %eq3A, %eq3A_63 : vector<104x128xf32>
      %convert_element_type3A_65 = arith.extui %eq3A_64 : vector<104x128xi1> to vector<104x128xi32>
      %convert_element_type3A_66 = arith.sitofp %convert_element_type3A_65 : vector<104x128xi32> to vector<104x128xf32>
      %mul3A_67 = vector.broadcast %get3A_62 : vector<1x128xf32> to vector<104x128xf32>
      %mul3A_68 = arith.mulf %convert_element_type3A_66, %mul3A_67 : vector<104x128xf32>
      %mul3A_69 = arith.constant 128 : i32
      %mul3A_70 = arith.muli %while3A_55, %mul3A_69 : i32
      %get3A_71 = arith.constant 0 : index
      %get3A_72 = arith.index_cast %mul3A_70 : i32 to index
      %get3A_73 = vector.load %arg6[%get3A_71, %get3A_72] : memref<8x5120xf32, #tpu.memory_space<vmem>>, vector<8x128xf32>
      %transpose3A = tpu.transpose %get3A_73, [1, 0] : vector<8x128xf32> -> vector<128x8xf32>
      %dot_general3A_74 = arith.constant dense<0.000000e+00> : vector<104x8xf32>
      %dot_general3A_75 = tpu.matmul %mul3A_68, %transpose3A, %dot_general3A_74 {dimension_numbers = #tpu.dot_dimension_numbers<[1], [0], [0], [1], [0, 0, 1, 1], [], []>, transpose_lhs_hint = false} : vector<104x128xf32>, vector<128x8xf32>, vector<104x8xf32> -> vector<104x8xf32>
      %add3A_76 = arith.addf %while3A_56, %dot_general3A_75 : vector<104x8xf32>
      scf.yield %add3A_76 : vector<104x8xf32>
    }
    %while3A_50 = arith.constant 1 : i32
    %while3A_51 = scf.for %while3A_55 = %while3A_47 to %while3A_43 step %while3A_50 iter_args(%while3A_56 = %while3A_49) -> (vector<104x8xf32>)  : i32 {
      %get3A_57 = arith.index_cast %while3A_55 : i32 to index
      %get3A_58 = arith.constant 0 : index
      %get3A_59 = vector.load %arg10[%get3A_57, %get3A_58] : memref<40x128xf32, #tpu.memory_space<vmem>>, vector<1x128xf32>
      %get3A_60 = arith.index_cast %while3A_55 : i32 to index
      %get3A_61 = arith.constant 0 : index
      %get3A_62 = vector.load %arg9[%get3A_60, %get3A_61] : memref<40x128xf32, #tpu.memory_space<vmem>>, vector<1x128xf32>
      %eq3A = vector.broadcast %convert_element_type3A_38 : vector<104x1xf32> to vector<104x128xf32>
      %eq3A_63 = vector.broadcast %get3A_59 : vector<1x128xf32> to vector<104x128xf32>
      %eq3A_64 = arith.cmpf oeq, %eq3A, %eq3A_63 : vector<104x128xf32>
      %convert_element_type3A_65 = arith.extui %eq3A_64 : vector<104x128xi1> to vector<104x128xi32>
      %convert_element_type3A_66 = arith.sitofp %convert_element_type3A_65 : vector<104x128xi32> to vector<104x128xf32>
      %mul3A_67 = vector.broadcast %get3A_62 : vector<1x128xf32> to vector<104x128xf32>
      %mul3A_68 = arith.mulf %convert_element_type3A_66, %mul3A_67 : vector<104x128xf32>
      %mul3A_69 = arith.constant 128 : i32
      %mul3A_70 = arith.muli %while3A_55, %mul3A_69 : i32
      %get3A_71 = arith.constant 0 : index
      %get3A_72 = arith.index_cast %mul3A_70 : i32 to index
      %get3A_73 = vector.load %arg6[%get3A_71, %get3A_72] : memref<8x5120xf32, #tpu.memory_space<vmem>>, vector<8x128xf32>
      %transpose3A = tpu.transpose %get3A_73, [1, 0] : vector<8x128xf32> -> vector<128x8xf32>
      %dot_general3A_74 = arith.constant dense<0.000000e+00> : vector<104x8xf32>
      %dot_general3A_75 = tpu.matmul %mul3A_68, %transpose3A, %dot_general3A_74 {dimension_numbers = #tpu.dot_dimension_numbers<[1], [0], [0], [1], [0, 0, 1, 1], [], []>, transpose_lhs_hint = false} : vector<104x128xf32>, vector<128x8xf32>, vector<104x8xf32> -> vector<104x8xf32>
      %add3A_76 = arith.addf %while3A_56, %dot_general3A_75 : vector<104x8xf32>
      scf.yield %add3A_76 : vector<104x8xf32>
    }
    %swap3A_52 = arith.constant 0 : index
    %swap3A_53 = arith.constant 0 : index
    %swap3A_54 = vector.load %arg8[%swap3A_52, %swap3A_53] : memref<104x8xf32, #tpu.memory_space<vmem>>, vector<104x8xf32>
    tpu.vector_store %arg8[%swap3A_52, %swap3A_53], %while3A_51 {strides = array<i32>} : memref<104x8xf32, #tpu.memory_space<vmem>>, vector<104x8xf32>,
    return
  }
}

</mosaic_0001>

<sc_bundles>
// kernel: kernel.4.cloned.1.call-start
scs
__scs_entry_jumppad:
0x0: {  	(pc) =	sbr.rel $0x88, $3  }
0x1: {  	(tag) =	ssettag $0x0;
	lr =	simm.s32 $0x1  }
0x2: {  	[smem:$0x3F9F] =	sst lr;
	_ =	strace $0xD0000000  }
0x3: {  	_ = 	snop  }
0x4: {  	_ = 	snop  }
0x5: {  	_ = 	snop  }
0x6: {  	_ = 	snop  }
0x7: {  	_ = 	snop  }
__scs_overlays_trampoline_lowered:
0x8: {  	[smem:$0x3FAE] =	sst s0  }
0x9: {  	[smem:$0x3FAF] =	sst s1  }
0xa: {  	[smem:$0x3FB0] =	sst s2  }
0xb: {  	[smem:$0x3FB1] =	sst s3  }
0xc: {  	[smem:$0x3FB2] =	sst s4  }
0xd: {  	[smem:$0x3FB3] =	sst s5  }
0xe: {  	[smem:$0x3FB4] =	sst s6  }
0xf: {  	[smem:$0x3FB5] =	sst s7  }
0x10: {  	[smem:$0x3FB6] =	sst s8  }
0x11: {  	[smem:$0x3FB7] =	sst s9;
	s0 =	simm.s32 @!p0 $0x0  }
0x12: {  	s1 =	sld [smem:$0x3F9D];
	s0 =	simm.s32 @p0 $0x1  }
0x13: {  	[smem:$0x3FB8] =	sst s0;
	s0 =	simm.s32 @!p1 $0x0  }
0x14: {  	s2 =	sld [smem:$0x3F9C];
	s0 =	simm.s32 @p1 $0x1  }
0x15: {  	[smem:$0x3FB9] =	sst s0;
	s0 =	simm.s32 @!p2 $0x0  }
0x16: {  	s3 =	sld [smem:$0x3FDB];
	s0 =	simm.s32 @p2 $0x1  }
0x17: {  	s4 =	simm.s32 $0x1BF5;
	[smem:$0x3FBB] =	sst s0  }
0x18: {  	s0 =	sld [smem:$0x3F9E];
	_ =	swait.ge [sflag:s4], $0x0  }
0x19: {  	s7 =	sld [smem:$0x3F9F]  }
0x1a: {  	s8 =	sadd.s32 $0xFFFFE003, lr  }
0x1b: {  	s9 =	sadd.s32 $0xFFFFFEF7, lr;
	s5 =	simm.s32 $0xFFFFFFFF;
	p2 =	slt.u32 s8, $0xFFFFF086  }
0x1c: {  	p1 =	slt.u32 s9, $0xF7A;
	s5 =	simm.s32 @!p2 $0x0  }
0x1d: {  	s5 =	simm.s32 @p1 $0x1;
	p0 =	seq.s32 s7, s2  }
0x1e: {  	s7 =	smul.u32 @!p0 $0xF7A, s2;
	p2 =	seq.s32 @!p0 s5, $0x0  }
0x1f: {  	s9 =	smul.u32 $0xF7A, s1;
	s8 =	simm.s32 @!p0 $0x1BF5;
	p2 =	por !p2, p0  }
0x20: {  	[sflag:s8] =	ssyncset.s32 @!p0 $0xFFFFF086;
	s6 =	sadd.s32 @!p0 s3, s7;
	s7 =	simm.s32 @!p0 $0x108  }
0x21: {  	s3 =	sadd.s32 s3, s9;
	s6 =	sadd.s32 @!p0 $0x88, s6;
	s7 =	simm.s32 @p2 $0x1082  }
0x22: {  	[simem:s7], [sflag:s8] =	dma.local @!p0 [hbm:s6], $0xF7A  }
0x23: {  	s9 =	sor.u32 $0xD0000000, s2;
	s6 =	simm.s32 $0x108;
	_ =	swait.ge @!p0 [sflag:s8], $0x0  }
0x24: {  	s3 =	sadd.s32 $0x88, s3;
	s6 =	simm.s32 @!p1 $0x1082;
	[sflag:s4] =	ssyncset.s32 $0xFFFFF086  }
0x25: {  	[simem:s6], [sflag:s4] =	dma.local [hbm:s3], $0xF7A  }
0x26: {  	[smem:$0x3F9F] =	sst s1;
	(tag) =	ssettag s2;
	_ =	strace s9  }
0x27: {  	s1 =	sld [smem:$0x3FAF]  }
0x28: {  	s2 =	sld [smem:$0x3FB0]  }
0x29: {  	s4 =	sld [smem:$0x3FB2]  }
0x2a: {  	p0 =	seq.s32 s5, $0x0;
	s5 =	sld [smem:$0x3FB3]  }
0x2b: {  	s6 =	sld [smem:$0x3FB4]  }
0x2c: {  	s7 =	sld [smem:$0x3FB5]  }
0x2d: {  	s3 =	simm.s32 $0x108;
	s8 =	sld [smem:$0x3FB6]  }
0x2e: {  	s3 =	simm.s32 @!p0 $0x1082;
	s9 =	sld [smem:$0x3FB7]  }
0x2f: {  	lr =	sadd.s32 s0, s3;
	s0 =	sld [smem:$0x3FAE]  }
0x30: {  	s3 =	sld [smem:$0x3FB1]  }
0x31: {  	[smem:$0x3FBA] =	sst s10  }
0x32: {  	s10 =	sld [smem:$0x3FB8];
	_ =	sdelay $0x3  }
0x33: {  	p0 =	seq.s32 s10, $0x1;
	s10 =	sld [smem:$0x3FBA];
	_ =	sdelay $0x3  }
0x34: {  	[smem:$0x3FBA] =	sst s10  }
0x35: {  	s10 =	sld [smem:$0x3FB9];
	_ =	sdelay $0x3  }
0x36: {  	p1 =	seq.s32 s10, $0x1;
	s10 =	sld [smem:$0x3FBA];
	_ =	sdelay $0x3  }
0x37: {  	[smem:$0x3FBA] =	sst s10  }
0x38: {  	s10 =	sld [smem:$0x3FBB]  }
0x39: {  	_ = 	snop;
	(pc) =	sbr.ind lr, $3  }
0x3a: {  	_ = 	snop  }
0x3b: {  	_ = 	snop  }
0x3c: {  	p2 =	seq.s32 s10, $0x1;
	s10 =	sld [smem:$0x3FBA]  }
0x3d: {  	_ =	shalt  }
0x3e: {  	_ =	shalt  }
0x3f: {  	_ =	shalt  }
0x40: {  	_ =	shalt  }
0x41: {  	_ =	shalt  }
0x42: {  	_ =	shalt  }
0x43: {  	_ =	shalt  }
0x44: {  	_ =	shalt  }
0x45: {  	_ =	shalt  }
0x46: {  	_ =	shalt  }
0x47: {  	_ =	shalt  }
0x48: {  	_ =	shalt  }
0x49: {  	_ =	shalt  }
0x4a: {  	_ =	shalt  }
0x4b: {  	_ =	shalt  }
0x4c: {  	_ =	shalt  }
0x4d: {  	_ =	shalt  }
0x4e: {  	_ =	shalt  }
0x4f: {  	_ =	shalt  }
0x50: {  	_ =	shalt  }
0x51: {  	_ =	shalt  }
0x52: {  	_ =	shalt  }
0x53: {  	_ =	shalt  }
0x54: {  	_ =	shalt  }
0x55: {  	_ =	shalt  }
0x56: {  	_ =	shalt  }
0x57: {  	_ =	shalt  }
0x58: {  	_ =	shalt  }
0x59: {  	_ =	shalt  }
0x5a: {  	_ =	shalt  }
0x5b: {  	_ =	shalt  }
0x5c: {  	_ =	shalt  }
0x5d: {  	_ =	shalt  }
0x5e: {  	_ =	shalt  }
0x5f: {  	_ =	shalt  }
0x60: {  	_ =	shalt  }
0x61: {  	_ =	shalt  }
0x62: {  	_ =	shalt  }
0x63: {  	_ =	shalt  }
0x64: {  	_ =	shalt  }
0x65: {  	_ =	shalt  }
0x66: {  	_ =	shalt  }
0x67: {  	_ =	shalt  }
0x68: {  	_ =	shalt  }
0x69: {  	_ =	shalt  }
0x6a: {  	_ =	shalt  }
0x6b: {  	_ =	shalt  }
0x6c: {  	_ =	shalt  }
0x6d: {  	_ =	shalt  }
0x6e: {  	_ =	shalt  }
0x6f: {  	_ =	shalt  }
0x70: {  	_ =	shalt  }
0x71: {  	_ =	shalt  }
0x72: {  	_ =	shalt  }
0x73: {  	_ =	shalt  }
0x74: {  	_ =	shalt  }
0x75: {  	_ =	shalt  }
0x76: {  	_ =	shalt  }
0x77: {  	_ =	shalt  }
0x78: {  	_ =	shalt  }
0x79: {  	_ =	shalt  }
0x7a: {  	_ =	shalt  }
0x7b: {  	_ =	shalt  }
0x7c: {  	_ =	shalt  }
0x7d: {  	_ =	shalt  }
0x7e: {  	_ =	shalt  }
0x7f: {  	_ =	shalt  }
0x80: {  	_ =	shalt  }
0x81: {  	_ =	shalt  }
0x82: {  	_ =	shalt  }
0x83: {  	_ =	shalt  }
0x84: {  	_ =	shalt  }
0x85: {  	_ =	shalt  }
0x86: {  	_ =	shalt  }
0x87: {  	_ =	shalt  }
.Lfunc_end0:
.L_simem_size_0:
called_computation_lowered:
.L_overlay_start_0:
0x88: {  	s2 =	sld [smem:$0x3FD9]  }
0x89: {  	s3 =	sld [smem:$0x3FFE];
	_ =	sdelay $0x1  }
0x8a: {  	s1 =	srdreg.scid  }
0x8b: {  	s0 =	sand.u32 $0x1, s1  }
0x8c: {  	s16 =	sshll.u32 s0, $0xA;
	s2 =	sadd.s32 s3, s2  }
0x8d: {  	s2 =	sadd.s32 s2, s16  }
0x8e: {  	[smem:$0x3FC6] =	sst s2  }
0x8f: {  	_ = 	snop  }
0x90: {  	(tm) =	ssettm $0x1  }
0x91: {  	s17 =	sld [smem:$0x3FFB];
	_ =	sdelay $0x3  }
0x92: {  	_ =	strace s17  }
0x93: {  	s2 =	sld [smem:$0x3FFC];
	_ =	sdelay $0x3  }
0x94: {  	_ =	strace s2  }
0x95: {  	s2 =	sld [smem:$0x3FFD];
	_ =	sdelay $0x3  }
0x96: {  	_ =	strace s2  }
0x97: {  	_ =	strace $0x8FFFFFFF  }
0x98: {  	s18 =	sld [smem:$0x3FDB];
	_ =	sdelay $0x1  }
0x99: {  	s19 =	simm.s32 $_scs_section_size  }
0x9a: {  	s4 =	simm.s32 $_size__tile_overlayer_lowered;
	s5 =	simm.s32 $_tile_overlayer_lowered  }
0x9b: {  	s22 =	simm.s32 $0x1BFF;
	s21 =	sshll.u32 s5, $0x1;
	s2 =	sadd.s32 s19, s18  }
0x9c: {  	s6 =	simm.s32 $0x0;
	s20 =	sshll.u32 s4, $0x1;
	s4 =	sadd.s32 s21, s2  }
0x9d: {  	[timem:s6], [sflag:s22] =	dma.local [hbm:s4], s20  }
0x9e: {  	_ =	swait.ge [sflag:s22], s20  }
0x9f: {  	s3 =	ssub.s32 $0x0, s20;
	[sflag:s22] =	ssyncset.done $0x0  }
0xa0: {  	[sflag:s22] =	ssyncadd.s32 s3;
	_ =	sdelay $0x1  }
0xa1: {  	s23 =	simm.s32 $0x1B8B  }
0xa2: {  	_ =	swait.ge [sflag:s23], $0x1  }
0xa3: {  	[sflag:s23] =	ssyncset.done $0x0  }
0xa4: {  	s25 =	simm.s32 $0x1B8E;
	s24 =	sld [smem:$0x3FFE];
	[sflag:s23] =	ssyncadd.s32 $0xFFFFFFFF  }
0xa5: {  	s26 =	simm.s32 $execute0_lowered;
	[smem:$0x3FD2] =	sst s25  }
0xa6: {  	s4 =	sshll.u32 s26, $0x1;
	_ =	strace $0x80000046;
	[dreg:$0x1] =	wrdreg $0xFFFFFFFF  }
0xa7: {  	s28 =	simm.s32 $_size_execute0_lowered;
	s2 =	sadd.s32 s2, s4;
	[dreg:$0x0] =	wrdreg $0x0  }
0xa8: {  	s4 =	sshll.u32 s28, $0x1;
	[dreg:$0x2] =	wrdreg s2  }
0xa9: {  	[dreg:$0x3] =	wrdreg s4  }
0xaa: {  	[dreg:$0x4] =	wrdreg $0xC0  }
0xab: {  	_ =	task [dreg:s6], $0x5FFFF  }
0xac: {  	[dreg:$0x1] =	wrdreg $0xFFFFFFFF  }
0xad: {  	[dreg:$0x0] =	wrdreg $0x60  }
0xae: {  	[dreg:$0x2] =	wrdreg s24  }
0xaf: {  	[dreg:$0x3] =	wrdreg $0x9  }
0xb0: {  	_ =	task.clear_ibuf [dreg:s6], $0x4FFFF;
	_ =	strace $0x90000046  }
0xb1: {  	s29 =	simm.s32 $0x9;
	_ =	strace $0x80000048  }
0xb2: {  	_ =	swait.ge [sflag:s29], $0x1  }
0xb3: {  	[sflag:s29] =	ssyncadd.s32 $0xFFFFFFFF  }
0xb4: {  	_ =	strace $0x90000048  }
0xb5: {  	_ =	sfence  }
0xb6: {  	s30 =	sld [smem:$0x0];
	_ =	sdelay $0x2  }
0xb7: {  	s31 =	sshll.u32 s1, $0xD;
	s1 =	sshrl.u32 s1, $0x2  }
0xb8: {  	s3 =	sand.u32 $0x4000, s31;
	s1 =	sadd.s32 s1, s30  }
0xb9: {  	s0 =	sor.u32 s3, s0;
	s1 =	sshll.u32 s1, $0x11  }
0xba: {  	s0 =	sor.u32 s1, s0  }
0xbb: {  	s0 =	sadd.s32 $0x8F2B, s0  }
0xbc: {  	[sflag:s0] =	ssyncadd.remote.s32 $0x1  }
0xbd: {  	_ =	sfence.sel $0xFFFF  }
0xbe: {  	[dreg:$0x0] =	wrdreg $0xFFFFFFFF;
	(pc) =	sbr.abs _section_cstart, $3  }
0xbf: {  	[dreg:$0x1] =	wrdreg $0xFFFFFFFF  }
0xc0: {  	_ =	task.clear_ibuf [dreg:s6], $0x2FFFF;
	_ =	strace $0x9FFFFFFF  }
0xc1: {  	(tm) =	ssettm $0x7FFFFFFF  }
tec
execute0_lowered:
.L_overlay_start_1:
0x0: {  	(tag) =	ssettag $0x1  }
0x1: {  	s1 =	srdreg.scid;
	s0 =	stileid.u32  }
0x2: {  	s10 =	sand.u32 $0x1, s1;
	s29 =	sshll.u32 s0, $0x1  }
0x3: {  	s8 =	sor.u32 s10, s29  }
0x4: {  	s2 =	rddreg [dreg:$0x0];
	s9 =	smul.u32 $0xA0, s8  }
0x5: {  	s3 =	simm.s32 $0x0;
	s1 =	rddreg [dreg:$0x1]  }
0x6: {  	[smem:$0x7FF] =	sst s3;
	s11 =	sadd.s32 $0x2C00, s2;
	s4 =	sshrl.u32 s9, $0x3  }
0x7: {  	_ =	strace $0x80000047;
	s5 =	sadd.s32 s11, s4;
	s4 =	simm.s32 $0x2  }
0x8: {  	[tilespmem:s3], [sflag:$0x2] =	stream.linear.gather [hbm4b:s5+s3], $0x50, $0x38;
	[tilespmem:$0x550] =	vst v63  }
0x9: {  	_ =	swait.ge [sflag:s4], $0x50  }
0xa: {  	[sflag:s4] =	ssyncset.done $0x0  }
0xb: {  	s6 =	simm.s32 $0x50;
	s7 =	simm.s32 $0x1;
	[sflag:s4] =	ssyncadd.s32 $0xFFFFFFB0  }
0xc: {  	[tilespmem:s6], [sflag:$0x1] =	stream.indirect.gather [hbm4b:s2+s6], $0x10, s3, s6, $0xb8;
	[tilespmem:$0x550] =	vst v63  }
0xd: {  	s8 =	smul.u32 $0x140, s8;
	_ =	swait.ge [sflag:s7], $0x500  }
0xe: {  	s12 =	sadd.s32 $0x3000, s2;
	[sflag:s7] =	ssyncset.done $0x0  }
0xf: {  	s8 =	sadd.s32 s12, s8;
	[sflag:s7] =	ssyncadd.s32 $0xFFFFFB00  }
0x10: {  	[hbm4b:s8+s3] =	stream.linear.scatter [tilespmem:s6], [sflag:$0x2], $0x500, $0x38;
	[tilespmem:$0x550] =	vst v63  }
0x11: {  	s13 =	sadd.s32 $0x50, s9;
	_ =	swait.ge [sflag:s4], $0x500  }
0x12: {  	s9 =	sshrl.u32 s13, $0x3;
	[sflag:s4] =	ssyncset.done $0x0  }
0x13: {  	s10 =	ssub.s32 $0x2, s10;
	s9 =	sadd.s32 s11, s9;
	[sflag:s4] =	ssyncadd.s32 $0xFFFFFB00  }
0x14: {  	[tilespmem:s3], [sflag:$0x2] =	stream.linear.gather [hbm4b:s9+s3], $0x50, $0x38;
	[tilespmem:$0x550] =	vst v63  }
0x15: {  	s30 =	sshrl.u32 s10, $0x1;
	_ =	swait.ge [sflag:s4], $0x50  }
0x16: {  	s11 =	ssub.s32 s10, s30;
	[sflag:s4] =	ssyncset.done $0x0  }
0x17: {  	s11 =	smax.u32 s11, $0x1;
	[sflag:s4] =	ssyncadd.s32 $0xFFFFFFB0  }
0x18: {  	[tilespmem:s6], [sflag:$0x1] =	stream.indirect.gather [hbm4b:s2+s6], $0x10, s3, s6, $0xb8;
	[tilespmem:$0x550] =	vst v63  }
0x19: {  	p0 =	sne.s32 s11, $0x1;
	_ =	swait.ge [sflag:s7], $0x500  }
.Ltmp0:
0x1a: {  	s31 =	sshll.u32 s13, $0x1;
	[sflag:s7] =	ssyncset.done $0x0;
	(pc) =	sbr.rel @!p0 .LBB2_2-.Ltmp0, $4  }
0x1b: {  	s10 =	sadd.s32 s12, s31;
	[sflag:s7] =	ssyncadd.s32 $0xFFFFFB00  }
0x1c: {  	[hbm4b:s10+s3] =	stream.linear.scatter [tilespmem:s6], [sflag:$0x2], $0x500, $0x38;
	[tilespmem:$0x550] =	vst v63  }
0x1d: {  	_ =	swait.ge [sflag:s4], $0x500  }
0x1e: {  	s11 =	sadd.s32 $0xFFFFFFFF, s11;
	[sflag:s4] =	ssyncset.done $0x0  }
.LBB2_1:
0x1f: {  	p0 =	sne.s32 s11, $0x1;
	s11 =	sadd.s32 $0xFFFFFFFF, s11;
	[sflag:s4] =	ssyncadd.s32 $0xFFFFFB00  }
0x20: {  	[tilespmem:s3], [sflag:$0x2] =	stream.linear.gather [hbm4b:s5+s3], $0x50, $0x38;
	[tilespmem:$0x550] =	vst v63  }
0x21: {  	_ =	swait.ge [sflag:s4], $0x50  }
0x22: {  	[sflag:s4] =	ssyncset.done $0x0  }
0x23: {  	[sflag:s4] =	ssyncadd.s32 $0xFFFFFFB0  }
0x24: {  	[tilespmem:s6], [sflag:$0x1] =	stream.indirect.gather [hbm4b:s2+s6], $0x10, s3, s6, $0xb8;
	[tilespmem:$0x550] =	vst v63  }
0x25: {  	_ =	swait.ge [sflag:s7], $0x500  }
0x26: {  	[sflag:s7] =	ssyncset.done $0x0  }
0x27: {  	[sflag:s7] =	ssyncadd.s32 $0xFFFFFB00  }
0x28: {  	[hbm4b:s8+s3] =	stream.linear.scatter [tilespmem:s6], [sflag:$0x2], $0x500, $0x38;
	[tilespmem:$0x550] =	vst v63  }
0x29: {  	_ =	swait.ge [sflag:s4], $0x500  }
0x2a: {  	[sflag:s4] =	ssyncset.done $0x0  }
0x2b: {  	[sflag:s4] =	ssyncadd.s32 $0xFFFFFB00  }
0x2c: {  	[tilespmem:s3], [sflag:$0x2] =	stream.linear.gather [hbm4b:s9+s3], $0x50, $0x38;
	[tilespmem:$0x550] =	vst v63  }
0x2d: {  	_ =	swait.ge [sflag:s4], $0x50  }
0x2e: {  	[sflag:s4] =	ssyncset.done $0x0  }
0x2f: {  	[sflag:s4] =	ssyncadd.s32 $0xFFFFFFB0  }
0x30: {  	[tilespmem:s6], [sflag:$0x1] =	stream.indirect.gather [hbm4b:s2+s6], $0x10, s3, s6, $0xb8;
	[tilespmem:$0x550] =	vst v63  }
0x31: {  	_ =	swait.ge [sflag:s7], $0x500  }
.Ltmp1:
0x32: {  	[sflag:s7] =	ssyncset.done $0x0;
	(pc) =	sbr.rel @p0 .LBB2_1-.Ltmp1, $4  }
0x33: {  	[sflag:s7] =	ssyncadd.s32 $0xFFFFFB00  }
0x34: {  	[hbm4b:s10+s3] =	stream.linear.scatter [tilespmem:s6], [sflag:$0x2], $0x500, $0x38;
	[tilespmem:$0x550] =	vst v63  }
0x35: {  	_ =	swait.ge [sflag:s4], $0x500  }
0x36: {  	[sflag:s4] =	ssyncset.done $0x0  }
.LBB2_2:
0x37: {  	[sflag:s4] =	ssyncadd.s32 $0xFFFFFB00  }
0x38: {  	_ =	sfence.sel $0x180000  }
0x39: {  	[bflag:$0x0] =	sbarrier.arrive $0xFFFF  }
0x3a: {  	p0 =	sne.s32 s0, $0x0;
	_ =	strace $0x90000047  }
0x3b: {  	s0 =	sadd.s32 @!p0 $0x100000, s1;
	[bflag:$0x2] =	sbarrier.arrive $0xFFFF  }
0x3c: {  	[sflag:s0] =	ssyncadd.tile.s32 @!p0 $0x1;
	_ =	shalt  }
.Lfunc_end2:
_tile_overlayer_lowered:
.L_overlay_start_2:
0x3d: {  	(tag) =	ssettag $0x2  }
0x3e: {  	s0 =	rddreg [dreg:$0x0];
	s2 =	stileid.u32  }
0x3f: {  	s1 =	rddreg [dreg:$0x1];
	p0 =	sne.s32 s2, $0x0  }
0x40: {  	s3 =	rddreg [dreg:$0x2];
	[bflag:$0x3] =	sbarrier.arrive $0xFFFF;
	s2 =	simm.s32 @!p0 $0x1C02  }
0x41: {  	[timem:s3], [sflag:s2] =	dma.local @!p0 [hbm:s0], s1  }
0x42: {  	s0 =	simm.s32 @!p0 $0x2  }
0x43: {  	_ =	swait.ge @!p0 [sflag:s0], s1  }
0x44: {  	s1 =	ssub.s32 @!p0 $0x0, s1;
	[sflag:s0] =	ssyncset.done @!p0 $0x0  }
0x45: {  	[sflag:s0] =	ssyncadd.s32 @!p0 s1  }
0x46: {  	[bflag:$0x3] =	sbarrier.arrive $0xFFFF  }
0x47: {  	_ =	shalt  }

</sc_bundles>
